<compile_context>
chip_gen: v7x
topology: tpu7x:2x2x1
jax: 0.10.2.dev20260603
libtpu: 0.0.44.dev20260713+nightly
codegen_flags: <defaults>
</compile_context>

<pallas_src>
import functools
import math

import jax
import jax.numpy as jnp
from jax import lax
from jax.experimental import pallas as pl
from jax.experimental.pallas import tpu as pltpu
from jax.experimental.pallas import tpu_sc as plsc

_T = 3.0
_S = 1.0
_D = 0.5
_P = 0.01
_A = (1.0 / _D) * math.log(1.0 / _P)
_G = -1.0 * _S * _P * math.exp(_A * _T) / _A
_C1 = -1.0 * _G

_NW = 32
_LANES = 16
_N_MOL = 5000


@functools.lru_cache(maxsize=4)
def _build_sc_kernel(n_pairs: int, n_atoms: int, n_mol: int):
    pairs_per_w = n_pairs // _NW
    chunk = 4000
    n_chunks = pairs_per_w // chunk
    vec_iters = chunk // _LANES
    acc_pad = ((n_mol + _LANES - 1) // _LANES) * _LANES

    mesh = plsc.VectorSubcoreMesh(core_axis_name="c", subcore_axis_name="s")

    @functools.partial(
        pl.kernel,
        out_type=[
            jax.ShapeDtypeStruct((n_pairs,), jnp.float32),
            jax.ShapeDtypeStruct((_NW, acc_pad), jnp.float32),
        ],
        mesh=mesh,
        compiler_params=pltpu.CompilerParams(needs_layout_passes=False),
        scratch_types=[
            pltpu.VMEM((n_atoms,), jnp.int32),
            pltpu.VMEM((acc_pad,), jnp.float32),
            pltpu.VMEM((chunk,), jnp.float32),
            pltpu.VMEM((chunk,), jnp.int32),
            pltpu.VMEM((chunk,), jnp.float32),
        ],
    )
    def sc_body(dist_hbm, first_hbm, mol_hbm, atom_out, part_out,
                mol_v, acc_v, dist_v, idx_v, e_v):
        wid = lax.axis_index("s") * 2 + lax.axis_index("c")
        base = wid * pairs_per_w

        pltpu.sync_copy(mol_hbm, mol_v)

        def zero_body(i, carry):
            acc_v[pl.ds(i * _LANES, _LANES)] = jnp.zeros((_LANES,), jnp.float32)
            return carry

        lax.fori_loop(0, acc_pad // _LANES, zero_body, 0)

        def chunk_body(c, carry):
            off = base + c * chunk
            pltpu.sync_copy(dist_hbm.at[pl.ds(off, chunk)], dist_v)
            pltpu.sync_copy(first_hbm.at[pl.ds(off, chunk)], idx_v)

            def vec_body(i, inner):
                d = dist_v[pl.ds(i * _LANES, _LANES)]
                e = _C1 * jnp.exp(-_A * d)
                idx = idx_v[pl.ds(i * _LANES, _LANES)]
                m = plsc.load_gather(mol_v, [idx])
                m = jnp.minimum(m, n_mol - 1)
                plsc.addupdate_scatter(acc_v, [m], e)
                e_v[pl.ds(i * _LANES, _LANES)] = e
                return inner

            lax.fori_loop(0, vec_iters, vec_body, 0)
            pltpu.sync_copy(e_v, atom_out.at[pl.ds(off, chunk)])
            return carry

        lax.fori_loop(0, n_chunks, chunk_body, 0)
        pltpu.sync_copy(acc_v, part_out.at[wid])

    return sc_body, acc_pad


def _reduce_partials(partials):
    def body(p_ref, o_ref):
        o_ref[...] = jnp.sum(p_ref[...], axis=0)

    return pl.pallas_call(
        body,
        out_shape=jax.ShapeDtypeStruct((partials.shape[1],), jnp.float32),
    )(partials)


def kernel(pair_dist, pair_first, mol_index, n_molecules):
    pair_first = pair_first.astype(jnp.int32)
    mol_index = mol_index.astype(jnp.int32)
    n_pairs = pair_dist.shape[0]
    n_atoms = mol_index.shape[0]
    sc_body, acc_pad = _build_sc_kernel(n_pairs, n_atoms, _N_MOL)
    atom_energies, partials = sc_body(pair_dist, pair_first, mol_index)
    mol_pad = _reduce_partials(partials)
    return (mol_pad[:_N_MOL], atom_energies)

# --- scband reference (transcript-rebuilt; emitter-appended) ---
"""Pipeline reference for scband-repulsive-potential-75273596830266 (READ-ONLY COPY).

The authoritative reference and input builder live on the scoring server;
editing this copy changes nothing except your own understanding.
"""

import jax, jax.numpy as jnp
import numpy as np
import math

# Potential constants derived from init_kwargs: taper_point=3.0, strength=1.0, dr=0.5, perc=0.01
_T = 3.0
_S = 1.0
_D = 0.5
_P = 0.01
_A = (1.0 / _D) * math.log(1.0 / _P)
_G = -1.0 * _S * _P * math.exp(_A * _T) / _A

N_PAIRS = 6400000
N_ATOMS = 100000
N_MOL = 5000


def setup_inputs(seed: int = 0) -> dict:
    key = jax.random.key(seed)
    k1, k2, k3 = jax.random.split(key, 3)
    pair_dist = jax.random.uniform(k1, (N_PAIRS,), dtype=jnp.float32) * 4.0 + 0.5
    pair_first = jax.random.randint(k2, (N_PAIRS,), 0, N_ATOMS, dtype=jnp.int64)
    mol_index = jnp.sort(jax.random.randint(k3, (N_ATOMS,), 0, N_MOL, dtype=jnp.int64))
    return {
        "pair_dist": pair_dist,
        "pair_first": pair_first,
        "mol_index": mol_index,
        "n_molecules": N_MOL,
    }


def reference(pair_dist, pair_first, mol_index, n_molecules):
    # atom (pair) energies: elementwise exponential repulsion
    atom_energies = -1.0 * _G * jnp.exp(-1.0 * _A * pair_dist)
    # MolPairSummer: map each pair to its molecule via the first atom of the pair,
    # then scatter-add pair energies into per-molecule totals.
    pair_mol = jnp.take(mol_index, pair_first, axis=0)
    pair_mol = jnp.minimum(pair_mol, n_molecules - 1)
    mol_energies = jax.ops.segment_sum(atom_energies, pair_mol, num_segments=N_MOL)
    return (mol_energies, atom_energies)

if __name__ == "__main__":
    import jax
    _d = setup_inputs()
    print(jax.jit(kernel)(*tuple(_d.values())))

</pallas_src>

<mosaic_0001>
#map = affine_map<(d0, d1) -> (0)>
#map1 = affine_map<(d0, d1) -> (0, 0)>
module attributes {stable_mosaic.version = 14 : i64} {
  func.func @sc_body(%arg0: i32, %arg1: i32, %arg2: memref<6400000xf32, #tpu.memory_space<hbm>>, %arg3: memref<6400000xi32, #tpu.memory_space<hbm>>, %arg4: memref<100000xi32, #tpu.memory_space<hbm>>, %arg5: memref<6400000xf32, #tpu.memory_space<hbm>>, %arg6: memref<32x5008xf32, #tpu.memory_space<hbm>>, %arg7: memref<100000xi32, #tpu.memory_space<vmem>>, %arg8: memref<5008xf32, #tpu.memory_space<vmem>>, %arg9: memref<4000xf32, #tpu.memory_space<vmem>>, %arg10: memref<4000xi32, #tpu.memory_space<vmem>>, %arg11: memref<4000xf32, #tpu.memory_space<vmem>>) attributes {dimension_semantics = [#tpu.dimension_semantics<core_parallel>, #tpu.dimension_semantics<subcore_parallel>], iteration_bounds = array<i64: 2, 16>, scalar_prefetch = 0 : i64, scratch_operands = 5 : i64, tpu.core_type = #tpu.core_type<sc_vector_subcore>, window_params = [{transform_indices = #map}, {transform_indices = #map}, {transform_indices = #map}, {transform_indices = #map}, {transform_indices = #map1}]} {
    %mul3A = arith.constant 2 : i32
    %mul3A_0 = arith.muli %arg1, %mul3A : i32
    %add3A = arith.addi %mul3A_0, %arg0 : i32
    %mul3A_1 = arith.constant 200000 : i32
    %mul3A_2 = arith.muli %add3A, %mul3A_1 : i32
    "tpu.region"() ({
      %run_scoped3A = tpu.sem_alloc : memref<!tpu.dma_semaphore, #tpu.memory_space<semaphore_mem>>
      tpu.enqueue_dma source(%arg4 : memref<100000xi32, #tpu.memory_space<hbm>>) target(%arg7 : memref<100000xi32, #tpu.memory_space<vmem>>) target_semaphore(%run_scoped3A : memref<!tpu.dma_semaphore, #tpu.memory_space<semaphore_mem>>)
      tpu.wait_dma2 semaphore(%run_scoped3A : memref<!tpu.dma_semaphore, #tpu.memory_space<semaphore_mem>>) src(%arg4 : memref<100000xi32, #tpu.memory_space<hbm>>) dst(%arg7 : memref<100000xi32, #tpu.memory_space<vmem>>)
      tpu.yield
    }) : () -> ()
    %scan3A = arith.constant 0 : i32
    %scan3A_3 = arith.constant 0 : i32
    %scan3A_4 = arith.constant 313 : i32
    %scan3A_5 = arith.addi %scan3A_3, %scan3A_4 : i32
    %scan3A_6 = arith.constant 1 : i32
    scf.for %scan3A_14 = %scan3A_3 to %scan3A_5 step %scan3A_6  : i32 {
      %broadcast_in_dim3A = arith.constant 0.000000e+00 : f32
      %broadcast_in_dim3A_15 = vector.broadcast %broadcast_in_dim3A : f32 to vector<16xf32>
      %mul3A_16 = arith.constant 16 : i32
      %mul3A_17 = arith.muli %scan3A_14, %mul3A_16 : i32
      %swap3A = arith.index_cast %mul3A_17 : i32 to index
      %swap3A_18 = tpu.vector_load %arg8[%swap3A] {strides = array<i32>} : memref<5008xf32, #tpu.memory_space<vmem>>, vector<16xf32>,
      tpu.vector_store %arg8[%swap3A], %broadcast_in_dim3A_15 {strides = array<i32>} : memref<5008xf32, #tpu.memory_space<vmem>>, vector<16xf32>,
    }
    %scan3A_7 = arith.constant 313 : i32
    %scan3A_8 = arith.constant 0 : i32
    %scan3A_9 = arith.constant 0 : i32
    %scan3A_10 = arith.constant 50 : i32
    %scan3A_11 = arith.addi %scan3A_9, %scan3A_10 : i32
    %scan3A_12 = arith.constant 1 : i32
    scf.for %scan3A_14 = %scan3A_9 to %scan3A_11 step %scan3A_12  : i32 {
      %mul3A_15 = arith.constant 4000 : i32
      %mul3A_16 = arith.muli %scan3A_14, %mul3A_15 : i32
      %add3A_17 = arith.addi %mul3A_2, %mul3A_16 : i32
      "tpu.region"() ({
        %run_scoped3A = tpu.sem_alloc : memref<!tpu.dma_semaphore, #tpu.memory_space<semaphore_mem>>
        %dma_start3A = tpu.memref_slice %arg2[%add3A_17] : memref<6400000xf32, #tpu.memory_space<hbm>> -> memref<4000xf32, #tpu.memory_space<hbm>>
        %dma_start3A_24 = tpu.memref_slice %arg2[%add3A_17] : memref<6400000xf32, #tpu.memory_space<hbm>> -> memref<4000xf32, #tpu.memory_space<hbm>>
        tpu.enqueue_dma source(%dma_start3A_24 : memref<4000xf32, #tpu.memory_space<hbm>>) target(%arg9 : memref<4000xf32, #tpu.memory_space<vmem>>) target_semaphore(%run_scoped3A : memref<!tpu.dma_semaphore, #tpu.memory_space<semaphore_mem>>)
        %dma_wait3A = tpu.memref_slice %arg2[%add3A_17] : memref<6400000xf32, #tpu.memory_space<hbm>> -> memref<4000xf32, #tpu.memory_space<hbm>>
        %dma_wait3A_25 = tpu.memref_slice %arg2[%add3A_17] : memref<6400000xf32, #tpu.memory_space<hbm>> -> memref<4000xf32, #tpu.memory_space<hbm>>
        tpu.wait_dma2 semaphore(%run_scoped3A : memref<!tpu.dma_semaphore, #tpu.memory_space<semaphore_mem>>) src(%dma_wait3A_25 : memref<4000xf32, #tpu.memory_space<hbm>>) dst(%arg9 : memref<4000xf32, #tpu.memory_space<vmem>>)
        tpu.yield
      }) : () -> ()
      "tpu.region"() ({
        %run_scoped3A = tpu.sem_alloc : memref<!tpu.dma_semaphore, #tpu.memory_space<semaphore_mem>>
        %dma_start3A = tpu.memref_slice %arg3[%add3A_17] : memref<6400000xi32, #tpu.memory_space<hbm>> -> memref<4000xi32, #tpu.memory_space<hbm>>
        %dma_start3A_24 = tpu.memref_slice %arg3[%add3A_17] : memref<6400000xi32, #tpu.memory_space<hbm>> -> memref<4000xi32, #tpu.memory_space<hbm>>
        tpu.enqueue_dma source(%dma_start3A_24 : memref<4000xi32, #tpu.memory_space<hbm>>) target(%arg10 : memref<4000xi32, #tpu.memory_space<vmem>>) target_semaphore(%run_scoped3A : memref<!tpu.dma_semaphore, #tpu.memory_space<semaphore_mem>>)
        %dma_wait3A = tpu.memref_slice %arg3[%add3A_17] : memref<6400000xi32, #tpu.memory_space<hbm>> -> memref<4000xi32, #tpu.memory_space<hbm>>
        %dma_wait3A_25 = tpu.memref_slice %arg3[%add3A_17] : memref<6400000xi32, #tpu.memory_space<hbm>> -> memref<4000xi32, #tpu.memory_space<hbm>>
        tpu.wait_dma2 semaphore(%run_scoped3A : memref<!tpu.dma_semaphore, #tpu.memory_space<semaphore_mem>>) src(%dma_wait3A_25 : memref<4000xi32, #tpu.memory_space<hbm>>) dst(%arg10 : memref<4000xi32, #tpu.memory_space<vmem>>)
        tpu.yield
      }) : () -> ()
      %scan3A_18 = arith.constant 0 : i32
      %scan3A_19 = arith.constant 0 : i32
      %scan3A_20 = arith.constant 250 : i32
      %scan3A_21 = arith.addi %scan3A_19, %scan3A_20 : i32
      %scan3A_22 = arith.constant 1 : i32
      scf.for %scan3A_24 = %scan3A_19 to %scan3A_21 step %scan3A_22  : i32 {
        %mul3A_25 = arith.constant 16 : i32
        %mul3A_26 = arith.muli %scan3A_24, %mul3A_25 : i32
        %get3A = arith.index_cast %mul3A_26 : i32 to index
        %get3A_27 = tpu.vector_load %arg9[%get3A] {strides = array<i32>} : memref<4000xf32, #tpu.memory_space<vmem>>, vector<16xf32>,
        %mul3A_28 = arith.constant -9.21034049 : f32
        %mul3A_29 = vector.broadcast %mul3A_28 : f32 to vector<16xf32>
        %mul3A_30 = arith.mulf %mul3A_29, %get3A_27 : vector<16xf32>
        %exp3A = math.exp %mul3A_30 : vector<16xf32>
        %mul3A_31 = arith.constant 1.08573619E+9 : f32
        %mul3A_32 = vector.broadcast %mul3A_31 : f32 to vector<16xf32>
        %mul3A_33 = arith.mulf %mul3A_32, %exp3A : vector<16xf32>
        %mul3A_34 = arith.constant 16 : i32
        %mul3A_35 = arith.muli %scan3A_24, %mul3A_34 : i32
        %get3A_36 = arith.index_cast %mul3A_35 : i32 to index
        %get3A_37 = tpu.vector_load %arg10[%get3A_36] {strides = array<i32>} : memref<4000xi32, #tpu.memory_space<vmem>>, vector<16xi32>,
        %gather3A = tpu.vector_load_idx %arg7[%get3A_37] : memref<100000xi32, #tpu.memory_space<vmem>>[vector<16xi32>], vector<16xi32>,
        %min3A = arith.constant 4999 : i32
        %min3A_38 = vector.broadcast %min3A : i32 to vector<16xi32>
        %min3A_39 = arith.minsi %gather3A, %min3A_38 : vector<16xi32>
        tpu.vector_store_idx %arg8[%min3A_39], %mul3A_33 {add = true} : memref<5008xf32, #tpu.memory_space<vmem>>[vector<16xi32>], vector<16xf32>,
        %mul3A_40 = arith.constant 16 : i32
        %mul3A_41 = arith.muli %scan3A_24, %mul3A_40 : i32
        %swap3A = arith.index_cast %mul3A_41 : i32 to index
        %swap3A_42 = tpu.vector_load %arg11[%swap3A] {strides = array<i32>} : memref<4000xf32, #tpu.memory_space<vmem>>, vector<16xf32>,
        tpu.vector_store %arg11[%swap3A], %mul3A_33 {strides = array<i32>} : memref<4000xf32, #tpu.memory_space<vmem>>, vector<16xf32>,
      }
      %scan3A_23 = arith.constant 250 : i32
      "tpu.region"() ({
        %run_scoped3A = tpu.sem_alloc : memref<!tpu.dma_semaphore, #tpu.memory_space<semaphore_mem>>
        %dma_start3A = tpu.memref_slice %arg5[%add3A_17] : memref<6400000xf32, #tpu.memory_space<hbm>> -> memref<4000xf32, #tpu.memory_space<hbm>>
        %dma_start3A_24 = tpu.memref_slice %arg5[%add3A_17] : memref<6400000xf32, #tpu.memory_space<hbm>> -> memref<4000xf32, #tpu.memory_space<hbm>>
        tpu.enqueue_dma source(%arg11 : memref<4000xf32, #tpu.memory_space<vmem>>) target(%dma_start3A_24 : memref<4000xf32, #tpu.memory_space<hbm>>) target_semaphore(%run_scoped3A : memref<!tpu.dma_semaphore, #tpu.memory_space<semaphore_mem>>)
        %dma_wait3A = tpu.memref_slice %arg5[%add3A_17] : memref<6400000xf32, #tpu.memory_space<hbm>> -> memref<4000xf32, #tpu.memory_space<hbm>>
        %dma_wait3A_25 = tpu.memref_slice %arg5[%add3A_17] : memref<6400000xf32, #tpu.memory_space<hbm>> -> memref<4000xf32, #tpu.memory_space<hbm>>
        tpu.wait_dma2 semaphore(%run_scoped3A : memref<!tpu.dma_semaphore, #tpu.memory_space<semaphore_mem>>) src(%arg11 : memref<4000xf32, #tpu.memory_space<vmem>>) dst(%dma_wait3A_25 : memref<4000xf32, #tpu.memory_space<hbm>>)
        tpu.yield
      }) : () -> ()
    }
    %scan3A_13 = arith.constant 50 : i32
    "tpu.region"() ({
      %run_scoped3A = tpu.sem_alloc : memref<!tpu.dma_semaphore, #tpu.memory_space<semaphore_mem>>
      %dma_start3A = arith.constant 0 : i32
      %dma_start3A_14 = tpu.memref_slice %arg6[%add3A, %dma_start3A] : memref<32x5008xf32, #tpu.memory_space<hbm>> -> memref<1x5008xf32, #tpu.memory_space<hbm>>
      %dma_start3A_15 = tpu.memref_squeeze %dma_start3A_14 : memref<1x5008xf32, #tpu.memory_space<hbm>> -> memref<5008xf32, #tpu.memory_space<hbm>>
      %dma_start3A_16 = arith.constant 0 : i32
      %dma_start3A_17 = tpu.memref_slice %arg6[%add3A, %dma_start3A_16] : memref<32x5008xf32, #tpu.memory_space<hbm>> -> memref<1x5008xf32, #tpu.memory_space<hbm>>
      %dma_start3A_18 = tpu.memref_squeeze %dma_start3A_17 : memref<1x5008xf32, #tpu.memory_space<hbm>> -> memref<5008xf32, #tpu.memory_space<hbm>>
      tpu.enqueue_dma source(%arg8 : memref<5008xf32, #tpu.memory_space<vmem>>) target(%dma_start3A_18 : memref<5008xf32, #tpu.memory_space<hbm>>) target_semaphore(%run_scoped3A : memref<!tpu.dma_semaphore, #tpu.memory_space<semaphore_mem>>)
      %dma_wait3A = arith.constant 0 : i32
      %dma_wait3A_19 = tpu.memref_slice %arg6[%add3A, %dma_wait3A] : memref<32x5008xf32, #tpu.memory_space<hbm>> -> memref<1x5008xf32, #tpu.memory_space<hbm>>
      %dma_wait3A_20 = tpu.memref_squeeze %dma_wait3A_19 : memref<1x5008xf32, #tpu.memory_space<hbm>> -> memref<5008xf32, #tpu.memory_space<hbm>>
      %dma_wait3A_21 = arith.constant 0 : i32
      %dma_wait3A_22 = tpu.memref_slice %arg6[%add3A, %dma_wait3A_21] : memref<32x5008xf32, #tpu.memory_space<hbm>> -> memref<1x5008xf32, #tpu.memory_space<hbm>>
      %dma_wait3A_23 = tpu.memref_squeeze %dma_wait3A_22 : memref<1x5008xf32, #tpu.memory_space<hbm>> -> memref<5008xf32, #tpu.memory_space<hbm>>
      tpu.wait_dma2 semaphore(%run_scoped3A : memref<!tpu.dma_semaphore, #tpu.memory_space<semaphore_mem>>) src(%arg8 : memref<5008xf32, #tpu.memory_space<vmem>>) dst(%dma_wait3A_23 : memref<5008xf32, #tpu.memory_space<hbm>>)
      tpu.yield
    }) : () -> ()
    return
  }
}

module attributes {stable_mosaic.version = 14 : i64} {
  func.func @body(%arg0: memref<32x5008xf32, #tpu.memory_space<vmem>>, %arg1: memref<5008xf32, #tpu.memory_space<vmem>>) attributes {dimension_semantics = [], scalar_prefetch = 0 : i64, scratch_operands = 0 : i64, tpu.core_type = #tpu.core_type<tc>} {
    %get3A = arith.constant 0 : index
    %get3A_0 = arith.constant 0 : index
    %get3A_1 = vector.load %arg0[%get3A, %get3A_0] : memref<32x5008xf32, #tpu.memory_space<vmem>>, vector<32x5008xf32>
    %reduce_sum3A = arith.constant dense<0.000000e+00> : vector<5008xf32>
    %reduce_sum3A_2 = vector.multi_reduction <add>, %get3A_1, %reduce_sum3A [0] : vector<32x5008xf32> to vector<5008xf32>
    %swap3A = arith.constant 0 : index
    %swap3A_3 = vector.load %arg1[%swap3A] : memref<5008xf32, #tpu.memory_space<vmem>>, vector<5008xf32>
    tpu.vector_store %arg1[%swap3A], %reduce_sum3A_2 {strides = array<i32>} : memref<5008xf32, #tpu.memory_space<vmem>>, vector<5008xf32>,
    return
  }
}

</mosaic_0001>

<sc_bundles>
// kernel: kernel.4.cloned.1.call-start
scs
__scs_entry_jumppad:
0x0: {  	(pc) =	sbr.rel $0x88, $3  }
0x1: {  	(tag) =	ssettag $0x0;
	lr =	simm.s32 $0x1  }
0x2: {  	[smem:$0x3F9E] =	sst lr;
	_ =	strace $0xD0000000  }
0x3: {  	_ = 	snop  }
0x4: {  	_ = 	snop  }
0x5: {  	_ = 	snop  }
0x6: {  	_ = 	snop  }
0x7: {  	_ = 	snop  }
__scs_overlays_trampoline_lowered:
0x8: {  	[smem:$0x3FAD] =	sst s0  }
0x9: {  	[smem:$0x3FAE] =	sst s1  }
0xa: {  	[smem:$0x3FAF] =	sst s2  }
0xb: {  	[smem:$0x3FB0] =	sst s3  }
0xc: {  	[smem:$0x3FB1] =	sst s4  }
0xd: {  	[smem:$0x3FB2] =	sst s5  }
0xe: {  	[smem:$0x3FB3] =	sst s6  }
0xf: {  	[smem:$0x3FB4] =	sst s7  }
0x10: {  	[smem:$0x3FB5] =	sst s8  }
0x11: {  	[smem:$0x3FB6] =	sst s9;
	s0 =	simm.s32 @!p0 $0x0  }
0x12: {  	s1 =	sld [smem:$0x3F9C];
	s0 =	simm.s32 @p0 $0x1  }
0x13: {  	[smem:$0x3FB7] =	sst s0;
	s0 =	simm.s32 @!p1 $0x0  }
0x14: {  	s2 =	sld [smem:$0x3F9B];
	s0 =	simm.s32 @p1 $0x1  }
0x15: {  	[smem:$0x3FB8] =	sst s0;
	s0 =	simm.s32 @!p2 $0x0  }
0x16: {  	s3 =	sld [smem:$0x3FDB];
	s0 =	simm.s32 @p2 $0x1  }
0x17: {  	s4 =	simm.s32 $0x1BF5;
	[smem:$0x3FBA] =	sst s0  }
0x18: {  	s0 =	sld [smem:$0x3F9D];
	_ =	swait.ge [sflag:s4], $0x0  }
0x19: {  	s7 =	sld [smem:$0x3F9E]  }
0x1a: {  	s8 =	sadd.s32 $0xFFFFE003, lr  }
0x1b: {  	s9 =	sadd.s32 $0xFFFFFEF7, lr;
	s5 =	simm.s32 $0xFFFFFFFF;
	p2 =	slt.u32 s8, $0xFFFFF086  }
0x1c: {  	p1 =	slt.u32 s9, $0xF7A;
	s5 =	simm.s32 @!p2 $0x0  }
0x1d: {  	s5 =	simm.s32 @p1 $0x1;
	p0 =	seq.s32 s7, s2  }
0x1e: {  	s7 =	smul.u32 @!p0 $0xF7A, s2;
	p2 =	seq.s32 @!p0 s5, $0x0  }
0x1f: {  	s9 =	smul.u32 $0xF7A, s1;
	s8 =	simm.s32 @!p0 $0x1BF5;
	p2 =	por !p2, p0  }
0x20: {  	[sflag:s8] =	ssyncset.s32 @!p0 $0xFFFFF086;
	s6 =	sadd.s32 @!p0 s3, s7;
	s7 =	simm.s32 @!p0 $0x108  }
0x21: {  	s3 =	sadd.s32 s3, s9;
	s6 =	sadd.s32 @!p0 $0x88, s6;
	s7 =	simm.s32 @p2 $0x1082  }
0x22: {  	[simem:s7], [sflag:s8] =	dma.local @!p0 [hbm:s6], $0xF7A  }
0x23: {  	s9 =	sor.u32 $0xD0000000, s2;
	s6 =	simm.s32 $0x108;
	_ =	swait.ge @!p0 [sflag:s8], $0x0  }
0x24: {  	s3 =	sadd.s32 $0x88, s3;
	s6 =	simm.s32 @!p1 $0x1082;
	[sflag:s4] =	ssyncset.s32 $0xFFFFF086  }
0x25: {  	[simem:s6], [sflag:s4] =	dma.local [hbm:s3], $0xF7A  }
0x26: {  	[smem:$0x3F9E] =	sst s1;
	(tag) =	ssettag s2;
	_ =	strace s9  }
0x27: {  	s1 =	sld [smem:$0x3FAE]  }
0x28: {  	s2 =	sld [smem:$0x3FAF]  }
0x29: {  	s4 =	sld [smem:$0x3FB1]  }
0x2a: {  	p0 =	seq.s32 s5, $0x0;
	s5 =	sld [smem:$0x3FB2]  }
0x2b: {  	s6 =	sld [smem:$0x3FB3]  }
0x2c: {  	s7 =	sld [smem:$0x3FB4]  }
0x2d: {  	s3 =	simm.s32 $0x108;
	s8 =	sld [smem:$0x3FB5]  }
0x2e: {  	s3 =	simm.s32 @!p0 $0x1082;
	s9 =	sld [smem:$0x3FB6]  }
0x2f: {  	lr =	sadd.s32 s0, s3;
	s0 =	sld [smem:$0x3FAD]  }
0x30: {  	s3 =	sld [smem:$0x3FB0]  }
0x31: {  	[smem:$0x3FB9] =	sst s10  }
0x32: {  	s10 =	sld [smem:$0x3FB7];
	_ =	sdelay $0x3  }
0x33: {  	p0 =	seq.s32 s10, $0x1;
	s10 =	sld [smem:$0x3FB9];
	_ =	sdelay $0x3  }
0x34: {  	[smem:$0x3FB9] =	sst s10  }
0x35: {  	s10 =	sld [smem:$0x3FB8];
	_ =	sdelay $0x3  }
0x36: {  	p1 =	seq.s32 s10, $0x1;
	s10 =	sld [smem:$0x3FB9];
	_ =	sdelay $0x3  }
0x37: {  	[smem:$0x3FB9] =	sst s10  }
0x38: {  	s10 =	sld [smem:$0x3FBA]  }
0x39: {  	_ = 	snop;
	(pc) =	sbr.ind lr, $3  }
0x3a: {  	_ = 	snop  }
0x3b: {  	_ = 	snop  }
0x3c: {  	p2 =	seq.s32 s10, $0x1;
	s10 =	sld [smem:$0x3FB9]  }
0x3d: {  	_ =	shalt  }
0x3e: {  	_ =	shalt  }
0x3f: {  	_ =	shalt  }
0x40: {  	_ =	shalt  }
0x41: {  	_ =	shalt  }
0x42: {  	_ =	shalt  }
0x43: {  	_ =	shalt  }
0x44: {  	_ =	shalt  }
0x45: {  	_ =	shalt  }
0x46: {  	_ =	shalt  }
0x47: {  	_ =	shalt  }
0x48: {  	_ =	shalt  }
0x49: {  	_ =	shalt  }
0x4a: {  	_ =	shalt  }
0x4b: {  	_ =	shalt  }
0x4c: {  	_ =	shalt  }
0x4d: {  	_ =	shalt  }
0x4e: {  	_ =	shalt  }
0x4f: {  	_ =	shalt  }
0x50: {  	_ =	shalt  }
0x51: {  	_ =	shalt  }
0x52: {  	_ =	shalt  }
0x53: {  	_ =	shalt  }
0x54: {  	_ =	shalt  }
0x55: {  	_ =	shalt  }
0x56: {  	_ =	shalt  }
0x57: {  	_ =	shalt  }
0x58: {  	_ =	shalt  }
0x59: {  	_ =	shalt  }
0x5a: {  	_ =	shalt  }
0x5b: {  	_ =	shalt  }
0x5c: {  	_ =	shalt  }
0x5d: {  	_ =	shalt  }
0x5e: {  	_ =	shalt  }
0x5f: {  	_ =	shalt  }
0x60: {  	_ =	shalt  }
0x61: {  	_ =	shalt  }
0x62: {  	_ =	shalt  }
0x63: {  	_ =	shalt  }
0x64: {  	_ =	shalt  }
0x65: {  	_ =	shalt  }
0x66: {  	_ =	shalt  }
0x67: {  	_ =	shalt  }
0x68: {  	_ =	shalt  }
0x69: {  	_ =	shalt  }
0x6a: {  	_ =	shalt  }
0x6b: {  	_ =	shalt  }
0x6c: {  	_ =	shalt  }
0x6d: {  	_ =	shalt  }
0x6e: {  	_ =	shalt  }
0x6f: {  	_ =	shalt  }
0x70: {  	_ =	shalt  }
0x71: {  	_ =	shalt  }
0x72: {  	_ =	shalt  }
0x73: {  	_ =	shalt  }
0x74: {  	_ =	shalt  }
0x75: {  	_ =	shalt  }
0x76: {  	_ =	shalt  }
0x77: {  	_ =	shalt  }
0x78: {  	_ =	shalt  }
0x79: {  	_ =	shalt  }
0x7a: {  	_ =	shalt  }
0x7b: {  	_ =	shalt  }
0x7c: {  	_ =	shalt  }
0x7d: {  	_ =	shalt  }
0x7e: {  	_ =	shalt  }
0x7f: {  	_ =	shalt  }
0x80: {  	_ =	shalt  }
0x81: {  	_ =	shalt  }
0x82: {  	_ =	shalt  }
0x83: {  	_ =	shalt  }
0x84: {  	_ =	shalt  }
0x85: {  	_ =	shalt  }
0x86: {  	_ =	shalt  }
0x87: {  	_ =	shalt  }
.Lfunc_end0:
.L_simem_size_0:
called_computation_lowered:
.L_overlay_start_0:
0x88: {  	s2 =	sld [smem:$0x3FD9]  }
0x89: {  	s3 =	sld [smem:$0x3FFE];
	_ =	sdelay $0x1  }
0x8a: {  	s1 =	srdreg.scid  }
0x8b: {  	s0 =	sand.u32 $0x1, s1  }
0x8c: {  	s14 =	sshll.u32 s0, $0xA;
	s2 =	sadd.s32 s3, s2  }
0x8d: {  	s2 =	sadd.s32 s2, s14  }
0x8e: {  	[smem:$0x3FC5] =	sst s2  }
0x8f: {  	_ = 	snop  }
0x90: {  	s2 =	sld [smem:$0x3FD0]  }
0x91: {  	s15 =	sld [smem:$0x3FC9]  }
0x92: {  	s4 =	sld [smem:$0x3FC8]  }
0x93: {  	s6 =	simm.s32 $0xA;
	s7 =	simm.s32 $0x10;
	s5 =	sld [smem:$0x3FC7]  }
0x94: {  	[smem:s7], [sflag:s6] =	dma.local [hbm:s2], $0x1  }
0x95: {  	_ =	swait.eq [sflag:s6], $0x1  }
0x96: {  	[sflag:s6] =	ssyncset.done $0x0  }
0x97: {  	[sflag:s6] =	ssyncadd.s32 $0xFFFFFFFF  }
0x98: {  	s16 =	sld [smem:$0x11];
	(tm) =	ssettm $0x1  }
0x99: {  	s17 =	sld [smem:$0x3FFB];
	_ =	sdelay $0x3  }
0x9a: {  	_ =	strace s17  }
0x9b: {  	s6 =	sld [smem:$0x3FFC];
	_ =	sdelay $0x3  }
0x9c: {  	_ =	strace s6  }
0x9d: {  	s6 =	sld [smem:$0x3FFD];
	_ =	sdelay $0x3  }
0x9e: {  	_ =	strace s6  }
0x9f: {  	_ =	strace $0x8FFFFFFF  }
0xa0: {  	s18 =	sld [smem:$0x3FDB];
	_ =	sdelay $0x1  }
0xa1: {  	s19 =	simm.s32 $_scs_section_size  }
0xa2: {  	s8 =	simm.s32 $_size__tile_overlayer_lowered;
	s9 =	simm.s32 $_tile_overlayer_lowered  }
0xa3: {  	s22 =	simm.s32 $0x1BFF;
	s21 =	sshll.u32 s9, $0x1;
	s6 =	sadd.s32 s19, s18  }
0xa4: {  	s10 =	simm.s32 $0x0;
	s20 =	sshll.u32 s8, $0x1;
	s8 =	sadd.s32 s21, s6  }
0xa5: {  	[timem:s10], [sflag:s22] =	dma.local [hbm:s8], s20  }
0xa6: {  	_ =	swait.ge [sflag:s22], s20  }
0xa7: {  	s7 =	ssub.s32 $0x0, s20;
	[sflag:s22] =	ssyncset.done $0x0  }
0xa8: {  	[sflag:s22] =	ssyncadd.s32 s7;
	_ =	sdelay $0x1  }
0xa9: {  	s23 =	simm.s32 $0x1B8B  }
0xaa: {  	_ =	swait.ge [sflag:s23], $0x1  }
0xab: {  	[sflag:s23] =	ssyncset.done $0x0  }
0xac: {  	s25 =	simm.s32 $0x1B8E;
	s24 =	sld [smem:$0x3FFE];
	[sflag:s23] =	ssyncadd.s32 $0xFFFFFFFF  }
0xad: {  	s26 =	simm.s32 $execute0_lowered;
	[smem:$0x3FD2] =	sst s25  }
0xae: {  	s8 =	sshll.u32 s26, $0x1;
	_ =	strace $0x80000046;
	[dreg:$0x1] =	wrdreg $0xFFFFFFFF  }
0xaf: {  	s28 =	simm.s32 $_size_execute0_lowered;
	s6 =	sadd.s32 s6, s8;
	[dreg:$0x0] =	wrdreg $0x0  }
0xb0: {  	s8 =	sshll.u32 s28, $0x1;
	[dreg:$0x2] =	wrdreg s6  }
0xb1: {  	[dreg:$0x3] =	wrdreg s8  }
0xb2: {  	[dreg:$0x4] =	wrdreg $0xC0  }
0xb3: {  	_ =	task [dreg:s10], $0x5FFFF  }
0xb4: {  	[dreg:$0x1] =	wrdreg $0xFFFFFFFF  }
0xb5: {  	[dreg:$0x0] =	wrdreg $0x60  }
0xb6: {  	[dreg:$0x2] =	wrdreg s15  }
0xb7: {  	[dreg:$0x3] =	wrdreg s4  }
0xb8: {  	[dreg:$0x4] =	wrdreg s5  }
0xb9: {  	[dreg:$0x5] =	wrdreg s16  }
0xba: {  	[dreg:$0x6] =	wrdreg s24  }
0xbb: {  	[dreg:$0x7] =	wrdreg $0x9  }
0xbc: {  	_ =	task.clear_ibuf [dreg:s10], $0x8FFFF;
	_ =	strace $0x90000046  }
0xbd: {  	s29 =	simm.s32 $0x9;
	_ =	strace $0x80000048  }
0xbe: {  	_ =	swait.ge [sflag:s29], $0x1  }
0xbf: {  	[sflag:s29] =	ssyncadd.s32 $0xFFFFFFFF  }
0xc0: {  	_ =	strace $0x90000048  }
0xc1: {  	_ =	sfence  }
0xc2: {  	s30 =	sld [smem:$0x0];
	_ =	sdelay $0x2  }
0xc3: {  	s31 =	sshll.u32 s1, $0xD;
	s1 =	sshrl.u32 s1, $0x2  }
0xc4: {  	s3 =	sand.u32 $0x4000, s31;
	s1 =	sadd.s32 s1, s30  }
0xc5: {  	s0 =	sor.u32 s3, s0;
	s1 =	sshll.u32 s1, $0x11  }
0xc6: {  	s0 =	sor.u32 s1, s0  }
0xc7: {  	s0 =	sadd.s32 $0x8F2B, s0  }
0xc8: {  	[sflag:s0] =	ssyncadd.remote.s32 $0x1  }
0xc9: {  	_ =	sfence.sel $0xFFFF  }
0xca: {  	[dreg:$0x0] =	wrdreg $0xFFFFFFFF;
	(pc) =	sbr.abs _section_cstart, $3  }
0xcb: {  	[dreg:$0x1] =	wrdreg $0xFFFFFFFF  }
0xcc: {  	_ =	task.clear_ibuf [dreg:s10], $0x2FFFF;
	_ =	strace $0x9FFFFFFF  }
0xcd: {  	(tm) =	ssettm $0x7FFFFFFF  }
tec
execute0_lowered:
.L_overlay_start_1:
0x0: {  	(tag) =	ssettag $0x1  }
0x1: {  	s1 =	rddreg [dreg:$0x0]  }
0x2: {  	s3 =	srdreg.scid;
	s2 =	rddreg [dreg:$0x1]  }
0x3: {  	s0 =	stileid.u32;
	s5 =	rddreg [dreg:$0x3]  }
0x4: {  	s10 =	rddreg [dreg:$0x4];
	s6 =	simm.s32 $0x0;
	s12 =	simm.s32 $0x1AB00  }
0x5: {  	s13 =	simm.s32 $0x18700;
	s14 =	simm.s32 $0x1BB00;
	s15 =	simm.s32 $0x80  }
0x6: {  	s16 =	simm.s32 $0x400;
	s7 =	sand.u32 $0x1, s3;
	s4 =	sshll.u32 s0, $0x1  }
0x7: {  	s3 =	rddreg [dreg:$0x2];
	s29 =	sshrl.u32 s0, $0x2;
	s8 =	sor.u32 s7, s4  }
0x8: {  	[smem:$0x7FF] =	sst s6;
	s9 =	smul.u32 $0xA000, s29;
	s30 =	sshll.u32 s8, $0x7  }
0x9: {  	s17 =	simm.s32 $0x0;
	s4 =	rddreg [dreg:$0x5];
	s11 =	sand.u32 $0x380, s30  }
0xa: {  	s7 =	ssub.s32 $0x2, s7;
	_ =	strace $0x80000047;
	s9 =	sor.u32 s9, s11  }
0xb: {  	s31 =	sshrl.u32 s7, $0x1;
	s11 =	simm.s32 $0x19B00;
	s9 =	sshrl.u32 s9, $0x3  }
0xc: {  	s9 =	sadd.s32 s9, s10;
	s10 =	ssub.s32 s7, s31;
	s7 =	smul.u32 $0x30D40, s8  }
0xd: {  	v0 =	vimm.f32 $0.0e+00;
	s8 =	sadd.s32 $0xA00, s9;
	s9 =	smax.u32 s10, $0x1;
	s10 =	simm.s32 $0x1  }
.LBB2_1:
0xe: {  	[tilespmem:s6], [sflag:$0x1] =	stream.linear.gather [hbm4b:s3+s6], $0x18700, $0x38;
	[tilespmem:$0x1CB00] =	vst v63  }
0xf: {  	_ =	swait.ge [sflag:s10], $0x18700  }
0x10: {  	[sflag:s10] =	ssyncset.done $0x0  }
0x11: {  	s18 =	simm.s32 $0x40;
	s19 =	simm.s32 $0x0;
	[sflag:s10] =	ssyncadd.s32 $0xFFFE7900  }
.LBB2_2:
0x12: {  	p0 =	sne.s32 s18, $0x4E00;
	[tilespmem:s19+$0x18700] =	vst v0;
	s19 =	smov.u32 s18;
	s18 =	sadd.s32 $0x40, s18  }
.Ltmp0:
0x13: {  	(pc) =	sbr.rel @p0 .LBB2_2-.Ltmp0, $2  }
0x14: {  	_ =	sdelay $0x2  }
0x15: {  	s19 =	sshra.s32 s19, $0x2  }
0x16: {  	[tilespmem:s19+$0x18700] =	vst v0;
	s18 =	simm.s32 $0x0;
	s19 =	simm.s32 $0x0  }
.LBB2_4:
0x17: {  	s20 =	smul.u32 $0xFA0, s19;
	_ =	sdelay $0x1  }
0x18: {  	s20 =	sadd.s32 s7, s20  }
0x19: {  	s20 =	sshrl.u32 s20, $0x3  }
0x1a: {  	s21 =	sadd.s32 s1, s20  }
0x1b: {  	[tilespmem:s11], [sflag:$0x1] =	stream.linear.gather [hbm4b:s21+s18], $0xFA0, $0x38;
	[tilespmem:$0x1CB00] =	vst v63  }
0x1c: {  	_ =	swait.ge [sflag:s10], $0xFA0  }
0x1d: {  	[sflag:s10] =	ssyncset.done $0x0  }
0x1e: {  	s31 =	sadd.s32 s2, s20;
	[sflag:s10] =	ssyncadd.s32 $0xFFFFF060  }
0x1f: {  	[tilespmem:s12], [sflag:$0x1] =	stream.linear.gather [hbm4b:s31+s18], $0xFA0, $0x38;
	[tilespmem:$0x1CB00] =	vst v63  }
0x20: {  	_ =	swait.ge [sflag:s10], $0xFA0  }
0x21: {  	[sflag:s10] =	ssyncset.done $0x0  }
0x22: {  	s21 =	simm.s32 $0x0;
	[sflag:s10] =	ssyncadd.s32 $0xFFFFF060  }
0x23: {  	v1 =	vld [tilespmem:s21+$0x19B00];
	_ =	sdelay $0x1  }
0x24: {  	v2 =	vld [tilespmem:s21+$0x1AB00];
	_ =	sdelay $0x2  }
0x25: {  	v1 =	vmul.f32 $-9.210340490e+00, v1;
	_ =	sdelay $0x1  }
0x26: {  	v1 =	vmul.f32 $1.442695020e+00, v1;
	_ =	sdelay $0x1  }
0x27: {  	(erf) = vpow2.f32 v1  }
0x28: {  	v1 =	vld.idx.msk [tilespmem:v2+s6+$0x0], $0xffff;
	_ =	sdelay $0x4  }
0x29: {  	vm0 =	vlt.s32 v1, $0x1387  }
0x2a: {  	v2 =	vnsel vm0, $0x1387, v1;
	_ =	sdelay $0x1  }
0x2b: {  	v1 =	vpop (erf)  }
0x2c: {  	v1 =	vmul.f32 $1.085736190e+09, v1;
	_ =	sdelay $0x1  }
0x2d: {  	s23 =	simm.s32 $0x10;
	s22 =	simm.s32 $0x80;
	[tilespmem:v2+s13+$0x0] =	vst.idx.add.f32.msk $0xffff, v1  }
.LBB2_5:
0x2e: {  	p0 =	sne.s32 s22, $0x3E40;
	v2 =	vld [tilespmem:s23+$0x19B00];
	[tilespmem:s21+$0x1BB00] =	vst v1;
	s21 =	smov.u32 s23  }
0x2f: {  	v1 =	vld [tilespmem:s21+$0x1AB00];
	_ =	sdelay $0x3  }
0x30: {  	v2 =	vmul.f32 $-9.210340490e+00, v2;
	_ =	sdelay $0x1  }
0x31: {  	v2 =	vmul.f32 $1.442695020e+00, v2;
	_ =	sdelay $0x1  }
0x32: {  	v1 =	vld.idx.msk [tilespmem:v1+s6+$0x0], $0xffff;
	(erf) = vpow2.f32 v2;
	_ =	sdelay $0x5  }
0x33: {  	vm0 =	vlt.s32 v1, $0x1387  }
0x34: {  	v2 =	vnsel vm0, $0x1387, v1  }
.Ltmp1:
0x35: {  	(pc) =	sbr.rel @p0 .LBB2_5-.Ltmp1, $3  }
0x36: {  	v1 =	vpop (erf)  }
0x37: {  	v1 =	vmul.f32 $1.085736190e+09, v1;
	_ =	sdelay $0x1  }
0x38: {  	s23 =	sshra.s32 s22, $0x2;
	s22 =	sadd.s32 $0x40, s22;
	[tilespmem:v2+s13+$0x0] =	vst.idx.add.f32.msk $0xffff, v1  }
0x39: {  	v2 =	vld [tilespmem:s23+$0x19B00]  }
0x3a: {  	[tilespmem:s21+$0x1BB00] =	vst v1  }
0x3b: {  	v1 =	vld [tilespmem:s23+$0x1AB00];
	_ =	sdelay $0x2  }
0x3c: {  	v2 =	vmul.f32 $-9.210340490e+00, v2;
	_ =	sdelay $0x1  }
0x3d: {  	v2 =	vmul.f32 $1.442695020e+00, v2;
	_ =	sdelay $0x1  }
0x3e: {  	(erf) = vpow2.f32 v2  }
0x3f: {  	v1 =	vld.idx.msk [tilespmem:v1+s6+$0x0], $0xffff;
	_ =	sdelay $0x4  }
0x40: {  	vm0 =	vlt.s32 v1, $0x1387  }
0x41: {  	v1 =	vnsel vm0, $0x1387, v1;
	_ =	sdelay $0x1  }
0x42: {  	v2 =	vpop (erf)  }
0x43: {  	v2 =	vmul.f32 $1.085736190e+09, v2  }
0x44: {  	s19 =	sadd.s32 $0x1, s19  }
0x45: {  	p0 =	sne.s32 s19, $0x32;
	[tilespmem:v1+s13+$0x0] =	vst.idx.add.f32.msk $0xffff, v2  }
.Ltmp2:
0x46: {  	s20 =	sadd.s32 s5, s20;
	[tilespmem:s23+$0x1BB00] =	vst v2;
	(pc) =	sbr.rel @p0 .LBB2_4-.Ltmp2, $4  }
0x47: {  	[hbm4b:s20+s6] =	stream.linear.scatter [tilespmem:s14], [sflag:$0x1], $0xFA0, $0x38;
	[tilespmem:$0x1CB00] =	vst v63  }
0x48: {  	_ =	swait.ge [sflag:s10], $0xFA0  }
0x49: {  	[sflag:s10] =	ssyncset.done $0x0  }
0x4a: {  	[sflag:s10] =	ssyncadd.s32 $0xFFFFF060  }
0x4b: {  	s17 =	sadd.s32 $0x1, s17  }
0x4c: {  	p0 =	sne.s32 s17, s9  }
.Ltmp3:
0x4d: {  	_ = 	snop;
	(pc) =	sbr.rel @p0 .LBB2_1-.Ltmp3, $4  }
0x4e: {  	[hbm4b:s8+s15] =	stream.strided.scatter [tilespmem:s13], [sflag:$0x1], $0x1400, s16, s15, $0x38;
	[tilespmem:$0x1CB00] =	vst v63  }
0x4f: {  	_ =	swait.ge [sflag:s10], $0x1400  }
0x50: {  	[sflag:s10] =	ssyncset.done $0x0  }
0x51: {  	[sflag:s10] =	ssyncadd.s32 $0xFFFFEC00  }
0x52: {  	_ =	sfence.sel $0x180000  }
0x53: {  	[bflag:$0x0] =	sbarrier.arrive $0xFFFF  }
0x54: {  	p0 =	sne.s32 s0, $0x0;
	_ =	strace $0x90000047  }
0x55: {  	s0 =	sadd.s32 @!p0 $0x100000, s4;
	[bflag:$0x2] =	sbarrier.arrive $0xFFFF  }
0x56: {  	[sflag:s0] =	ssyncadd.tile.s32 @!p0 $0x1;
	_ =	shalt  }
.Lfunc_end2:
_tile_overlayer_lowered:
.L_overlay_start_2:
0x57: {  	(tag) =	ssettag $0x2  }
0x58: {  	s0 =	rddreg [dreg:$0x0];
	s2 =	stileid.u32  }
0x59: {  	s1 =	rddreg [dreg:$0x1];
	p0 =	sne.s32 s2, $0x0  }
0x5a: {  	s3 =	rddreg [dreg:$0x2];
	[bflag:$0x3] =	sbarrier.arrive $0xFFFF;
	s2 =	simm.s32 @!p0 $0x1C01  }
0x5b: {  	[timem:s3], [sflag:s2] =	dma.local @!p0 [hbm:s0], s1  }
0x5c: {  	s0 =	simm.s32 @!p0 $0x1  }
0x5d: {  	_ =	swait.ge @!p0 [sflag:s0], s1  }
0x5e: {  	s1 =	ssub.s32 @!p0 $0x0, s1;
	[sflag:s0] =	ssyncset.done @!p0 $0x0  }
0x5f: {  	[sflag:s0] =	ssyncadd.s32 @!p0 s1  }
0x60: {  	[bflag:$0x3] =	sbarrier.arrive $0xFFFF  }
0x61: {  	_ =	shalt  }

</sc_bundles>
